<compile_context>
chip_gen: v7x
topology: tpu7x:2x2x1
jax: 0.10.2.dev20260603
libtpu: 0.0.44.dev20260713+nightly
codegen_flags: <defaults>
</compile_context>

<pallas_src>
import dataclasses

import jax
import jax.numpy as jnp
from jax import lax
from jax.experimental import pallas as pl
from jax.experimental.pallas import tpu as pltpu
from jax.experimental.pallas import tpu_sc as plsc

N = 10000
D = 128
E = 320000

NC = 2
NS = 16
NW = NC * NS
CHUNK = 128
LANES = 16

NCHT = ((-(-E // (NS * CHUNK)) + 15) // 16) * 16
EV = NCHT * CHUNK
E_PAD2 = EV * NS

N_PAD = ((N + NS * CHUNK) // (NS * CHUNK)) * NS * CHUNK
RPT = N_PAD // NS
TRASH = 16383

HN = N_PAD // NC
Z_ROWS = HN + CHUNK
LTRASH = HN
ZPT = Z_ROWS // NS
WPT = HN // NS


def _mesh():
    return plsc.VectorSubcoreMesh(core_axis_name="c", subcore_axis_name="s",
                                  num_cores=NC, num_subcores=NS)


HB = 128


def _cp():
    cp = pltpu.CompilerParams()
    if "needs_layout_passes" in pltpu.CompilerParams.__dataclass_fields__:
        cp = dataclasses.replace(cp, needs_layout_passes=False)
    return cp


def _deg_body(dst_hbm, deg_hbm, dstv, idxrow, histo, deg_sh):
    cid = lax.axis_index("c")
    sid = lax.axis_index("s")
    pltpu.sync_copy(dst_hbm.at[sid, pl.ds(cid * (EV // 2), EV // 2)], dstv)

    @pl.loop(0, HB)
    def _zr(i):
        @pl.loop(0, D, step=LANES)
        def _zc(c):
            histo[i, pl.ds(c, LANES)] = jnp.zeros((LANES,), jnp.float32)

    @pl.loop(0, D, step=LANES)
    def _io(c):
        idxrow[0, pl.ds(c, LANES)] = lax.iota(jnp.int32, LANES) + c

    pltpu.sync_copy(histo.at[pl.ds(sid * (HB // NS), HB // NS)],
                    deg_sh.at[pl.ds(sid * (HB // NS), HB // NS)])
    plsc.subcore_barrier()

    @pl.loop(0, EV // 2, step=LANES)
    def _hist(c):
        v = dstv[pl.ds(c, LANES)]
        plsc.addupdate_scatter(histo, [v >> 7, v & 127],
                               jnp.ones((LANES,), jnp.float32))

    pltpu.sync_copy(histo, deg_sh.at[idxrow.at[0]], add=True)
    plsc.subcore_barrier()
    pltpu.sync_copy(deg_sh.at[pl.ds(sid * (HB // NS), HB // NS)],
                    deg_hbm.at[cid, pl.ds(sid * (HB // NS), HB // NS)])


@jax.jit
def _deg_call(dst_slab):
    k = pl.kernel(
        _deg_body,
        out_type=jax.ShapeDtypeStruct((NC, HB, D), jnp.float32),
        mesh=_mesh(),
        compiler_params=_cp(),
        scratch_types=[
            pltpu.VMEM((EV // 2,), jnp.int32),
            pltpu.VMEM((1, D), jnp.int32),
            pltpu.VMEM((HB, D), jnp.float32),
            pltpu.VMEM_SHARED((HB, D), jnp.float32),
        ],
    )
    return k(dst_slab)


def _agg_body(xs_hbm, src_hbm, dst_hbm, z_hbm, srcv, dstv, rb0, rb1, z_sh,
              sem0, sem1):
    cid = lax.axis_index("c")
    sid = lax.axis_index("s")
    base = cid * HN
    pltpu.sync_copy(src_hbm.at[sid], srcv.at[pl.ds(0, EV)])
    pltpu.sync_copy(dst_hbm.at[sid], dstv.at[pl.ds(0, EV)])

    def _compact(i, off):
        v = dstv[pl.ds(i * LANES, LANES)]
        s = srcv[pl.ds(i * LANES, LANES)]
        lv = v - base
        ok = (lv >= 0) & (lv < HN)
        plsc.store_compressed(dstv.at[pl.ds(off, LANES)], lv, mask=ok)
        plsc.store_compressed(srcv.at[pl.ds(off, LANES)], s, mask=ok)
        return off + jnp.sum(ok.astype(jnp.int32))

    cnt = lax.fori_loop(0, EV // LANES, _compact, 0)

    cnt_pad = jnp.maximum(((cnt + 2 * CHUNK - 1) // (2 * CHUNK)) * (2 * CHUNK),
                          2 * CHUNK)
    nfill = (cnt_pad - cnt + LANES - 1) // LANES

    def _fill(k, _):
        dstv[pl.ds(cnt + k * LANES, LANES)] = jnp.full((LANES,), LTRASH,
                                                       jnp.int32)
        srcv[pl.ds(cnt + k * LANES, LANES)] = jnp.zeros((LANES,), jnp.int32)
        return 0

    lax.fori_loop(0, nfill, _fill, 0)
    nch = cnt_pad // CHUNK

    @pl.loop(0, CHUNK)
    def _zrow(i):
        @pl.loop(0, D, step=LANES)
        def _zcol(c):
            rb0[i, pl.ds(c, LANES)] = jnp.zeros((LANES,), jnp.float32)

    @pl.loop(0, ZPT // CHUNK)
    def _zero(k):
        pltpu.sync_copy(rb0, z_sh.at[pl.ds(sid * ZPT + k * CHUNK, CHUNK)])

    pltpu.sync_copy(rb0.at[pl.ds(0, ZPT % CHUNK)],
                    z_sh.at[pl.ds(sid * ZPT + ZPT - ZPT % CHUNK,
                                  ZPT % CHUNK)])

    plsc.subcore_barrier()

    def _gather(j, rb, sem):
        return pltpu.async_copy(
            xs_hbm.at[srcv.at[pl.ds(j * CHUNK, CHUNK)]], rb, sem)

    def _gather_wait(j, rb, sem):
        pltpu.make_async_copy(
            xs_hbm.at[srcv.at[pl.ds(j * CHUNK, CHUNK)]], rb, sem).wait()

    def _scatter_sync(j, rb):
        pltpu.sync_copy(rb, z_sh.at[dstv.at[pl.ds(j * CHUNK, CHUNK)]],
                        add=True)

    _gather(0, rb0, sem0)

    def _pipe(jj, _):
        j = jj * 2
        _gather(j + 1, rb1, sem1)
        _gather_wait(j, rb0, sem0)
        _scatter_sync(j, rb0)
        _gather(j + 2, rb0, sem0)
        _gather_wait(j + 1, rb1, sem1)
        _scatter_sync(j + 1, rb1)
        return 0

    lax.fori_loop(0, (nch - 2) // 2, _pipe, 0)

    _gather(nch - 1, rb1, sem1)
    _gather_wait(nch - 2, rb0, sem0)
    _scatter_sync(nch - 2, rb0)
    _gather_wait(nch - 1, rb1, sem1)
    _scatter_sync(nch - 1, rb1)

    plsc.subcore_barrier()
    pltpu.sync_copy(z_sh.at[pl.ds(sid * WPT, WPT)],
                    z_hbm.at[pl.ds(base + sid * WPT, WPT)])


@jax.jit
def _agg_call(xs, src_slab, dst_slab):
    k = pl.kernel(
        _agg_body,
        out_type=jax.ShapeDtypeStruct((N_PAD, D), jnp.float32),
        mesh=_mesh(),
        compiler_params=_cp(),
        scratch_types=[
            pltpu.VMEM((EV + 2 * CHUNK,), jnp.int32),
            pltpu.VMEM((EV + 2 * CHUNK,), jnp.int32),
            pltpu.VMEM((CHUNK, D), jnp.float32),
            pltpu.VMEM((CHUNK, D), jnp.float32),
            pltpu.VMEM_SHARED((Z_ROWS, D), jnp.float32),
            pltpu.SemaphoreType.DMA,
            pltpu.SemaphoreType.DMA,
        ],
    )
    return k(xs, src_slab, dst_slab)


RB = 2000


def _scale_body(deg_ref, x_ref, xs_ref):
    d = deg_ref[0] + deg_ref[1] + 1.0
    xs_ref[...] = x_ref[...] * lax.rsqrt(d)


@jax.jit
def _scale_call(deg4, x):
    return pl.pallas_call(
        _scale_body,
        grid=(N // RB,),
        in_specs=[
            pl.BlockSpec((NC, RB, 1), lambda i: (0, i, 0)),
            pl.BlockSpec((RB, D), lambda i: (i, 0)),
        ],
        out_specs=pl.BlockSpec((RB, D), lambda i: (i, 0)),
        out_shape=jax.ShapeDtypeStruct((N, D), jnp.float32),
    )(deg4, x)


def _final_body(z_ref, xs_ref, deg_ref, w1_ref, b1_ref, w2_ref, b2_ref,
                o_ref):
    d = deg_ref[0] + deg_ref[1] + 1.0
    y = (z_ref[...] + xs_ref[...]) * lax.rsqrt(d)
    h1 = jnp.dot(y, w1_ref[...], preferred_element_type=jnp.float32,
                 precision="highest") + b1_ref[...]
    h2 = jnp.dot(y, w2_ref[...], preferred_element_type=jnp.float32,
                 precision="highest") + b2_ref[...]
    o_ref[...] = jnp.maximum(h1, 0.0) + h2


@jax.jit
def _final_call(z, xs, deg4, W1, b1, W2, b2):
    return pl.pallas_call(
        _final_body,
        grid=(N // RB,),
        in_specs=[
            pl.BlockSpec((RB, D), lambda i: (i, 0)),
            pl.BlockSpec((RB, D), lambda i: (i, 0)),
            pl.BlockSpec((NC, RB, 1), lambda i: (0, i, 0)),
            pl.BlockSpec((D, D), lambda i: (0, 0)),
            pl.BlockSpec((1, D), lambda i: (0, 0)),
            pl.BlockSpec((D, D), lambda i: (0, 0)),
            pl.BlockSpec((1, D), lambda i: (0, 0)),
        ],
        out_specs=pl.BlockSpec((RB, D), lambda i: (i, 0)),
        out_shape=jax.ShapeDtypeStruct((N, D), jnp.float32),
    )(z, xs, deg4, W1, b1, W2, b2)


def kernel(x, edge_index, W1, b1, W2, b2):
    ei = edge_index.astype(jnp.int32)
    pad2 = E_PAD2 - E
    src_slab = jnp.concatenate(
        [ei[0], jnp.zeros((pad2,), jnp.int32)]).reshape(NS, EV)
    dst_slab = jnp.concatenate(
        [ei[1], jnp.full((pad2,), TRASH, jnp.int32)]).reshape(NS, EV)

    deg4 = _deg_call(dst_slab).reshape(NC, HB * D, 1)
    xs = _scale_call(deg4, x)
    z = _agg_call(xs, src_slab, dst_slab)
    return _final_call(z, xs, deg4, W1, b1.reshape(1, D), W2,
                       b2.reshape(1, D))

# --- scband reference (transcript-rebuilt; emitter-appended) ---
"""Pipeline reference for scband-diffusion-graph-conv-16604343566383 (READ-ONLY COPY).

The authoritative reference and input builder live on the scoring server;
editing this copy changes nothing except your own understanding.
"""

import jax, jax.numpy as jnp
import numpy as np

N = 10000
E = 320000
D_IN = 128
D_OUT = 128


def gcn_conv(x, edge_index, W, b):
    # GCNConv: x' = D^{-1/2} (A + I) D^{-1/2} (X W) + b
    src = edge_index[0]
    dst = edge_index[1]
    loop = jnp.arange(N, dtype=src.dtype)
    src = jnp.concatenate([src, loop])
    dst = jnp.concatenate([dst, loop])
    xw = x @ W
    deg = jnp.zeros((N,), dtype=x.dtype).at[dst].add(1.0)
    dinv = jax.lax.rsqrt(jnp.maximum(deg, 1.0))
    norm = dinv[src] * dinv[dst]
    msg = xw[src] * norm[:, None]
    out = jnp.zeros((N, D_OUT), dtype=x.dtype).at[dst].add(msg)
    return out + b


def setup_inputs(seed: int = 0):
    key = jax.random.key(seed)
    k1, k2, k3, k4, k5, k6 = jax.random.split(key, 6)
    x = jax.random.normal(k1, (N, D_IN), dtype=jnp.float32)
    edge_index = jax.random.randint(k2, (2, E), 0, N).astype(jnp.int64)
    W1 = jax.random.normal(k3, (D_IN, D_OUT), dtype=jnp.float32) * 0.05
    b1 = jnp.zeros((D_OUT,), dtype=jnp.float32)
    W2 = jax.random.normal(k4, (D_IN, D_OUT), dtype=jnp.float32) * 0.05
    b2 = jnp.zeros((D_OUT,), dtype=jnp.float32)
    return {"x": x, "edge_index": edge_index, "W1": W1, "b1": b1, "W2": W2, "b2": b2}


def reference(x, edge_index, W1, b1, W2, b2):
    out = gcn_conv(x, edge_index, W1, b1)
    out = jax.nn.relu(out)  # dropout is identity in eval mode
    out = out + gcn_conv(x, edge_index, W2, b2)
    return out

if __name__ == "__main__":
    import jax
    _d = setup_inputs()
    print(jax.jit(kernel)(*tuple(_d.values())))

</pallas_src>

<mosaic_0001>
#map = affine_map<(d0, d1) -> (0, 0)>
#map1 = affine_map<(d0, d1) -> (0, 0, 0)>
module attributes {stable_mosaic.version = 14 : i64} {
  func.func @_deg_body(%arg0: i32, %arg1: i32, %arg2: memref<16x20480xi32, #tpu.memory_space<hbm>>, %arg3: memref<2x128x128xf32, #tpu.memory_space<hbm>>, %arg4: memref<10240xi32, #tpu.memory_space<vmem>>, %arg5: memref<1x128xi32, #tpu.memory_space<vmem>>, %arg6: memref<128x128xf32, #tpu.memory_space<vmem>>, %arg7: memref<128x128xf32, #tpu.memory_space<vmem_shared>>) attributes {dimension_semantics = [#tpu.dimension_semantics<core_parallel>, #tpu.dimension_semantics<subcore_parallel>], iteration_bounds = array<i64: 2, 16>, scalar_prefetch = 0 : i64, scratch_operands = 4 : i64, tpu.core_type = #tpu.core_type<sc_vector_subcore>, window_params = [{transform_indices = #map}, {transform_indices = #map1}]} {
    %mul3A = arith.constant 10240 : i32
    %mul3A_0 = arith.muli %arg0, %mul3A : i32
    "tpu.region"() ({
      %run_scoped3A_24 = tpu.sem_alloc : memref<!tpu.dma_semaphore, #tpu.memory_space<semaphore_mem>>
      %dma_start3A = tpu.memref_slice %arg2[%arg1, %mul3A_0] : memref<16x20480xi32, #tpu.memory_space<hbm>> -> memref<1x10240xi32, #tpu.memory_space<hbm>>
      %dma_start3A_25 = tpu.memref_squeeze %dma_start3A : memref<1x10240xi32, #tpu.memory_space<hbm>> -> memref<10240xi32, #tpu.memory_space<hbm>>
      %dma_start3A_26 = tpu.memref_slice %arg2[%arg1, %mul3A_0] : memref<16x20480xi32, #tpu.memory_space<hbm>> -> memref<1x10240xi32, #tpu.memory_space<hbm>>
      %dma_start3A_27 = tpu.memref_squeeze %dma_start3A_26 : memref<1x10240xi32, #tpu.memory_space<hbm>> -> memref<10240xi32, #tpu.memory_space<hbm>>
      tpu.enqueue_dma source(%dma_start3A_27 : memref<10240xi32, #tpu.memory_space<hbm>>) target(%arg4 : memref<10240xi32, #tpu.memory_space<vmem>>) target_semaphore(%run_scoped3A_24 : memref<!tpu.dma_semaphore, #tpu.memory_space<semaphore_mem>>)
      %dma_wait3A = tpu.memref_slice %arg2[%arg1, %mul3A_0] : memref<16x20480xi32, #tpu.memory_space<hbm>> -> memref<1x10240xi32, #tpu.memory_space<hbm>>
      %dma_wait3A_28 = tpu.memref_squeeze %dma_wait3A : memref<1x10240xi32, #tpu.memory_space<hbm>> -> memref<10240xi32, #tpu.memory_space<hbm>>
      %dma_wait3A_29 = tpu.memref_slice %arg2[%arg1, %mul3A_0] : memref<16x20480xi32, #tpu.memory_space<hbm>> -> memref<1x10240xi32, #tpu.memory_space<hbm>>
      %dma_wait3A_30 = tpu.memref_squeeze %dma_wait3A_29 : memref<1x10240xi32, #tpu.memory_space<hbm>> -> memref<10240xi32, #tpu.memory_space<hbm>>
      tpu.wait_dma2 semaphore(%run_scoped3A_24 : memref<!tpu.dma_semaphore, #tpu.memory_space<semaphore_mem>>) src(%dma_wait3A_30 : memref<10240xi32, #tpu.memory_space<hbm>>) dst(%arg4 : memref<10240xi32, #tpu.memory_space<vmem>>)
      tpu.yield
    }) : () -> ()
    %scan3A = arith.constant 0 : i32
    %scan3A_1 = arith.constant 128 : i32
    %scan3A_2 = arith.addi %scan3A, %scan3A_1 : i32
    %scan3A_3 = arith.constant 1 : i32
    scf.for %scan3A_24 = %scan3A to %scan3A_2 step %scan3A_3  : i32 {
      %mul3A_25 = arith.constant 1 : i32
      %mul3A_26 = arith.muli %scan3A_24, %mul3A_25 : i32
      %add3A = arith.constant 0 : i32
      %add3A_27 = arith.addi %add3A, %mul3A_26 : i32
      %scan3A_28 = arith.constant 0 : i32
      %scan3A_29 = arith.constant 8 : i32
      %scan3A_30 = arith.addi %scan3A_28, %scan3A_29 : i32
      %scan3A_31 = arith.constant 1 : i32
      scf.for %scan3A_33 = %scan3A_28 to %scan3A_30 step %scan3A_31  : i32 {
        %mul3A_34 = arith.constant 16 : i32
        %mul3A_35 = arith.muli %scan3A_33, %mul3A_34 : i32
        %add3A_36 = arith.constant 0 : i32
        %add3A_37 = arith.addi %add3A_36, %mul3A_35 : i32
        %broadcast_in_dim3A = arith.constant 0.000000e+00 : f32
        %broadcast_in_dim3A_38 = vector.broadcast %broadcast_in_dim3A : f32 to vector<16xf32>
        %swap3A = arith.index_cast %add3A_27 : i32 to index
        %swap3A_39 = arith.index_cast %add3A_37 : i32 to index
        %swap3A_40 = tpu.vector_load %arg6[%swap3A, %swap3A_39] {strides = array<i32>} : memref<128x128xf32, #tpu.memory_space<vmem>>, vector<16xf32>,
        tpu.vector_store %arg6[%swap3A, %swap3A_39], %broadcast_in_dim3A_38 {strides = array<i32>} : memref<128x128xf32, #tpu.memory_space<vmem>>, vector<16xf32>,
      }
      %scan3A_32 = arith.constant 8 : i32
    }
    %scan3A_4 = arith.constant 128 : i32
    %scan3A_5 = arith.constant 0 : i32
    %scan3A_6 = arith.constant 8 : i32
    %scan3A_7 = arith.addi %scan3A_5, %scan3A_6 : i32
    %scan3A_8 = arith.constant 1 : i32
    scf.for %scan3A_24 = %scan3A_5 to %scan3A_7 step %scan3A_8  : i32 {
      %mul3A_25 = arith.constant 16 : i32
      %mul3A_26 = arith.muli %scan3A_24, %mul3A_25 : i32
      %add3A = arith.constant 0 : i32
      %add3A_27 = arith.addi %add3A, %mul3A_26 : i32
      %iota3A = tpu.iota {dimensions = array<i32: 0>} : vector<16xi32>
      %add3A_28 = vector.broadcast %add3A_27 : i32 to vector<16xi32>
      %add3A_29 = arith.addi %iota3A, %add3A_28 : vector<16xi32>
      %swap3A = arith.constant 0 : i32
      %swap3A_30 = arith.index_cast %swap3A : i32 to index
      %swap3A_31 = arith.index_cast %add3A_27 : i32 to index
      %swap3A_32 = tpu.vector_load %arg5[%swap3A_30, %swap3A_31] {strides = array<i32>} : memref<1x128xi32, #tpu.memory_space<vmem>>, vector<16xi32>,
      tpu.vector_store %arg5[%swap3A_30, %swap3A_31], %add3A_29 {strides = array<i32>} : memref<1x128xi32, #tpu.memory_space<vmem>>, vector<16xi32>,
    }
    %scan3A_9 = arith.constant 8 : i32
    %mul3A_10 = arith.constant 8 : i32
    %mul3A_11 = arith.muli %arg1, %mul3A_10 : i32
    %mul3A_12 = arith.constant 8 : i32
    %mul3A_13 = arith.muli %arg1, %mul3A_12 : i32
    "tpu.region"() ({
      %run_scoped3A_24 = tpu.sem_alloc : memref<!tpu.dma_semaphore, #tpu.memory_space<semaphore_mem>>
      %dma_start3A = arith.constant 0 : i32
      %dma_start3A_25 = tpu.memref_slice %arg6[%mul3A_11, %dma_start3A] : memref<128x128xf32, #tpu.memory_space<vmem>> -> memref<8x128xf32, #tpu.memory_space<vmem>>
      %dma_start3A_26 = arith.constant 0 : i32
      %dma_start3A_27 = tpu.memref_slice %arg7[%mul3A_13, %dma_start3A_26] : memref<128x128xf32, #tpu.memory_space<vmem_shared>> -> memref<8x128xf32, #tpu.memory_space<vmem_shared>>
      %dma_start3A_28 = arith.constant 0 : i32
      %dma_start3A_29 = tpu.memref_slice %arg7[%mul3A_13, %dma_start3A_28] : memref<128x128xf32, #tpu.memory_space<vmem_shared>> -> memref<8x128xf32, #tpu.memory_space<vmem_shared>>
      %dma_start3A_30 = arith.constant 0 : i32
      %dma_start3A_31 = tpu.memref_slice %arg6[%mul3A_11, %dma_start3A_30] : memref<128x128xf32, #tpu.memory_space<vmem>> -> memref<8x128xf32, #tpu.memory_space<vmem>>
      tpu.enqueue_dma source(%dma_start3A_31 : memref<8x128xf32, #tpu.memory_space<vmem>>) target(%dma_start3A_29 : memref<8x128xf32, #tpu.memory_space<vmem_shared>>) target_semaphore(%run_scoped3A_24 : memref<!tpu.dma_semaphore, #tpu.memory_space<semaphore_mem>>)
      %dma_wait3A = arith.constant 0 : i32
      %dma_wait3A_32 = tpu.memref_slice %arg6[%mul3A_11, %dma_wait3A] : memref<128x128xf32, #tpu.memory_space<vmem>> -> memref<8x128xf32, #tpu.memory_space<vmem>>
      %dma_wait3A_33 = arith.constant 0 : i32
      %dma_wait3A_34 = tpu.memref_slice %arg7[%mul3A_13, %dma_wait3A_33] : memref<128x128xf32, #tpu.memory_space<vmem_shared>> -> memref<8x128xf32, #tpu.memory_space<vmem_shared>>
      %dma_wait3A_35 = arith.constant 0 : i32
      %dma_wait3A_36 = tpu.memref_slice %arg7[%mul3A_13, %dma_wait3A_35] : memref<128x128xf32, #tpu.memory_space<vmem_shared>> -> memref<8x128xf32, #tpu.memory_space<vmem_shared>>
      %dma_wait3A_37 = arith.constant 0 : i32
      %dma_wait3A_38 = tpu.memref_slice %arg6[%mul3A_11, %dma_wait3A_37] : memref<128x128xf32, #tpu.memory_space<vmem>> -> memref<8x128xf32, #tpu.memory_space<vmem>>
      tpu.wait_dma2 semaphore(%run_scoped3A_24 : memref<!tpu.dma_semaphore, #tpu.memory_space<semaphore_mem>>) src(%dma_wait3A_38 : memref<8x128xf32, #tpu.memory_space<vmem>>) dst(%dma_wait3A_36 : memref<8x128xf32, #tpu.memory_space<vmem_shared>>)
      tpu.yield
    }) : () -> ()
    %barrier3A = arith.constant 0 : index
    tpu.barrier barrier_id(%barrier3A)
    %scan3A_14 = arith.constant 0 : i32
    %scan3A_15 = arith.constant 640 : i32
    %scan3A_16 = arith.addi %scan3A_14, %scan3A_15 : i32
    %scan3A_17 = arith.constant 1 : i32
    scf.for %scan3A_24 = %scan3A_14 to %scan3A_16 step %scan3A_17  : i32 {
      %mul3A_25 = arith.constant 16 : i32
      %mul3A_26 = arith.muli %scan3A_24, %mul3A_25 : i32
      %add3A = arith.constant 0 : i32
      %add3A_27 = arith.addi %add3A, %mul3A_26 : i32
      %get3A = arith.index_cast %add3A_27 : i32 to index
      %get3A_28 = tpu.vector_load %arg4[%get3A] {strides = array<i32>} : memref<10240xi32, #tpu.memory_space<vmem>>, vector<16xi32>,
      %shift_right_arithmetic3A = arith.constant 7 : i32
      %shift_right_arithmetic3A_29 = vector.broadcast %shift_right_arithmetic3A : i32 to vector<16xi32>
      %shift_right_arithmetic3A_30 = arith.shrsi %get3A_28, %shift_right_arithmetic3A_29 : vector<16xi32>
      %and3A = arith.constant 127 : i32
      %and3A_31 = vector.broadcast %and3A : i32 to vector<16xi32>
      %and3A_32 = arith.andi %get3A_28, %and3A_31 : vector<16xi32>
      %broadcast_in_dim3A = arith.constant 1.000000e+00 : f32
      %broadcast_in_dim3A_33 = vector.broadcast %broadcast_in_dim3A : f32 to vector<16xf32>
      tpu.vector_store_idx %arg6[%shift_right_arithmetic3A_30, %and3A_32], %broadcast_in_dim3A_33 {add = true} : memref<128x128xf32, #tpu.memory_space<vmem>>[vector<16xi32>, vector<16xi32>], vector<16xf32>,
    }
    %scan3A_18 = arith.constant 640 : i32
    %run_scoped3A = arith.constant 0 : i32
    "tpu.region"() ({
      %run_scoped3A_24 = tpu.sem_alloc : memref<!tpu.dma_semaphore, #tpu.memory_space<semaphore_mem>>
      %dma_start3A = arith.constant 0 : i32
      %dma_start3A_25 = tpu.memref_slice %arg5[%run_scoped3A, %dma_start3A] : memref<1x128xi32, #tpu.memory_space<vmem>> -> memref<1x128xi32, #tpu.memory_space<vmem>>
      %dma_start3A_26 = tpu.memref_squeeze %dma_start3A_25 : memref<1x128xi32, #tpu.memory_space<vmem>> -> memref<128xi32, #tpu.memory_space<vmem>>
      %dma_start3A_27 = arith.constant 0 : i32
      %dma_start3A_28 = arith.constant 0 : i32
      %dma_start3A_29 = tpu.memref_slice %arg7[%dma_start3A_27, %dma_start3A_28] : memref<128x128xf32, #tpu.memory_space<vmem_shared>> -> memref<128x128xf32, #tpu.memory_space<vmem_shared>>
      tpu.enqueue_indirect_dma source(%arg6 : memref<128x128xf32, #tpu.memory_space<vmem>>) target(%dma_start3A_29 : memref<128x128xf32, #tpu.memory_space<vmem_shared>>) offsets(%dma_start3A_26 : memref<128xi32, #tpu.memory_space<vmem>>) semaphore(%run_scoped3A_24 : memref<!tpu.dma_semaphore, #tpu.memory_space<semaphore_mem>>) {add = true}
      %dma_wait3A = arith.constant 0 : i32
      %dma_wait3A_30 = tpu.memref_slice %arg5[%run_scoped3A, %dma_wait3A] : memref<1x128xi32, #tpu.memory_space<vmem>> -> memref<1x128xi32, #tpu.memory_space<vmem>>
      %dma_wait3A_31 = tpu.memref_squeeze %dma_wait3A_30 : memref<1x128xi32, #tpu.memory_space<vmem>> -> memref<128xi32, #tpu.memory_space<vmem>>
      %dma_wait3A_32 = arith.constant 0 : i32
      %dma_wait3A_33 = arith.constant 0 : i32
      %dma_wait3A_34 = tpu.memref_slice %arg7[%dma_wait3A_32, %dma_wait3A_33] : memref<128x128xf32, #tpu.memory_space<vmem_shared>> -> memref<128x128xf32, #tpu.memory_space<vmem_shared>>
      tpu.wait_indirect_dma semaphore(%run_scoped3A_24 : memref<!tpu.dma_semaphore, #tpu.memory_space<semaphore_mem>>) src(%arg6 : memref<128x128xf32, #tpu.memory_space<vmem>>) dst(%dma_wait3A_34 : memref<128x128xf32, #tpu.memory_space<vmem_shared>>)
      tpu.yield
    }) : () -> ()
    %barrier3A_19 = arith.constant 0 : index
    tpu.barrier barrier_id(%barrier3A_19)
    %mul3A_20 = arith.constant 8 : i32
    %mul3A_21 = arith.muli %arg1, %mul3A_20 : i32
    %mul3A_22 = arith.constant 8 : i32
    %mul3A_23 = arith.muli %arg1, %mul3A_22 : i32
    "tpu.region"() ({
      %run_scoped3A_24 = tpu.sem_alloc : memref<!tpu.dma_semaphore, #tpu.memory_space<semaphore_mem>>
      %dma_start3A = arith.constant 0 : i32
      %dma_start3A_25 = tpu.memref_slice %arg3[%arg0, %mul3A_23, %dma_start3A] : memref<2x128x128xf32, #tpu.memory_space<hbm>> -> memref<1x8x128xf32, #tpu.memory_space<hbm>>
      %dma_start3A_26 = tpu.memref_squeeze %dma_start3A_25 : memref<1x8x128xf32, #tpu.memory_space<hbm>> -> memref<8x128xf32, #tpu.memory_space<hbm>>
      %dma_start3A_27 = arith.constant 0 : i32
      %dma_start3A_28 = tpu.memref_slice %arg7[%mul3A_21, %dma_start3A_27] : memref<128x128xf32, #tpu.memory_space<vmem_shared>> -> memref<8x128xf32, #tpu.memory_space<vmem_shared>>
      tpu.enqueue_dma source(%dma_start3A_28 : memref<8x128xf32, #tpu.memory_space<vmem_shared>>) target(%dma_start3A_26 : memref<8x128xf32, #tpu.memory_space<hbm>>) target_semaphore(%run_scoped3A_24 : memref<!tpu.dma_semaphore, #tpu.memory_space<semaphore_mem>>)
      %dma_wait3A = arith.constant 0 : i32
      %dma_wait3A_29 = tpu.memref_slice %arg3[%arg0, %mul3A_23, %dma_wait3A] : memref<2x128x128xf32, #tpu.memory_space<hbm>> -> memref<1x8x128xf32, #tpu.memory_space<hbm>>
      %dma_wait3A_30 = tpu.memref_squeeze %dma_wait3A_29 : memref<1x8x128xf32, #tpu.memory_space<hbm>> -> memref<8x128xf32, #tpu.memory_space<hbm>>
      %dma_wait3A_31 = arith.constant 0 : i32
      %dma_wait3A_32 = tpu.memref_slice %arg7[%mul3A_21, %dma_wait3A_31] : memref<128x128xf32, #tpu.memory_space<vmem_shared>> -> memref<8x128xf32, #tpu.memory_space<vmem_shared>>
      tpu.wait_dma2 semaphore(%run_scoped3A_24 : memref<!tpu.dma_semaphore, #tpu.memory_space<semaphore_mem>>) src(%dma_wait3A_32 : memref<8x128xf32, #tpu.memory_space<vmem_shared>>) dst(%dma_wait3A_30 : memref<8x128xf32, #tpu.memory_space<hbm>>)
      tpu.yield
    }) : () -> ()
    return
  }
}

</mosaic_0001>

<sc_bundles>
// kernel: _deg_call.3.cloned.1.call-start
scs
__scs_entry_jumppad:
0x0: {  	(pc) =	sbr.rel $0x88, $3  }
0x1: {  	(tag) =	ssettag $0x0;
	lr =	simm.s32 $0x1  }
0x2: {  	[smem:$0x3FA0] =	sst lr;
	_ =	strace $0xD0000000  }
0x3: {  	_ = 	snop  }
0x4: {  	_ = 	snop  }
0x5: {  	_ = 	snop  }
0x6: {  	_ = 	snop  }
0x7: {  	_ = 	snop  }
__scs_overlays_trampoline_lowered:
0x8: {  	[smem:$0x3FAF] =	sst s0  }
0x9: {  	[smem:$0x3FB0] =	sst s1  }
0xa: {  	[smem:$0x3FB1] =	sst s2  }
0xb: {  	[smem:$0x3FB2] =	sst s3  }
0xc: {  	[smem:$0x3FB3] =	sst s4  }
0xd: {  	[smem:$0x3FB4] =	sst s5  }
0xe: {  	[smem:$0x3FB5] =	sst s6  }
0xf: {  	[smem:$0x3FB6] =	sst s7  }
0x10: {  	[smem:$0x3FB7] =	sst s8  }
0x11: {  	[smem:$0x3FB8] =	sst s9;
	s0 =	simm.s32 @!p0 $0x0  }
0x12: {  	s1 =	sld [smem:$0x3F9E];
	s0 =	simm.s32 @p0 $0x1  }
0x13: {  	[smem:$0x3FB9] =	sst s0;
	s0 =	simm.s32 @!p1 $0x0  }
0x14: {  	s2 =	sld [smem:$0x3F9D];
	s0 =	simm.s32 @p1 $0x1  }
0x15: {  	[smem:$0x3FBA] =	sst s0;
	s0 =	simm.s32 @!p2 $0x0  }
0x16: {  	s3 =	sld [smem:$0x3FDB];
	s0 =	simm.s32 @p2 $0x1  }
0x17: {  	s4 =	simm.s32 $0x1BF5;
	[smem:$0x3FBC] =	sst s0  }
0x18: {  	s0 =	sld [smem:$0x3F9F];
	_ =	swait.ge [sflag:s4], $0x0  }
0x19: {  	s7 =	sld [smem:$0x3FA0]  }
0x1a: {  	s8 =	sadd.s32 $0xFFFFE003, lr  }
0x1b: {  	s9 =	sadd.s32 $0xFFFFFEF7, lr;
	s5 =	simm.s32 $0xFFFFFFFF;
	p2 =	slt.u32 s8, $0xFFFFF086  }
0x1c: {  	p1 =	slt.u32 s9, $0xF7A;
	s5 =	simm.s32 @!p2 $0x0  }
0x1d: {  	s5 =	simm.s32 @p1 $0x1;
	p0 =	seq.s32 s7, s2  }
0x1e: {  	s7 =	smul.u32 @!p0 $0xF7A, s2;
	p2 =	seq.s32 @!p0 s5, $0x0  }
0x1f: {  	s9 =	smul.u32 $0xF7A, s1;
	s8 =	simm.s32 @!p0 $0x1BF5;
	p2 =	por !p2, p0  }
0x20: {  	[sflag:s8] =	ssyncset.s32 @!p0 $0xFFFFF086;
	s6 =	sadd.s32 @!p0 s3, s7;
	s7 =	simm.s32 @!p0 $0x108  }
0x21: {  	s3 =	sadd.s32 s3, s9;
	s6 =	sadd.s32 @!p0 $0x88, s6;
	s7 =	simm.s32 @p2 $0x1082  }
0x22: {  	[simem:s7], [sflag:s8] =	dma.local @!p0 [hbm:s6], $0xF7A  }
0x23: {  	s9 =	sor.u32 $0xD0000000, s2;
	s6 =	simm.s32 $0x108;
	_ =	swait.ge @!p0 [sflag:s8], $0x0  }
0x24: {  	s3 =	sadd.s32 $0x88, s3;
	s6 =	simm.s32 @!p1 $0x1082;
	[sflag:s4] =	ssyncset.s32 $0xFFFFF086  }
0x25: {  	[simem:s6], [sflag:s4] =	dma.local [hbm:s3], $0xF7A  }
0x26: {  	[smem:$0x3FA0] =	sst s1;
	(tag) =	ssettag s2;
	_ =	strace s9  }
0x27: {  	s1 =	sld [smem:$0x3FB0]  }
0x28: {  	s2 =	sld [smem:$0x3FB1]  }
0x29: {  	s4 =	sld [smem:$0x3FB3]  }
0x2a: {  	p0 =	seq.s32 s5, $0x0;
	s5 =	sld [smem:$0x3FB4]  }
0x2b: {  	s6 =	sld [smem:$0x3FB5]  }
0x2c: {  	s7 =	sld [smem:$0x3FB6]  }
0x2d: {  	s3 =	simm.s32 $0x108;
	s8 =	sld [smem:$0x3FB7]  }
0x2e: {  	s3 =	simm.s32 @!p0 $0x1082;
	s9 =	sld [smem:$0x3FB8]  }
0x2f: {  	lr =	sadd.s32 s0, s3;
	s0 =	sld [smem:$0x3FAF]  }
0x30: {  	s3 =	sld [smem:$0x3FB2]  }
0x31: {  	[smem:$0x3FBB] =	sst s10  }
0x32: {  	s10 =	sld [smem:$0x3FB9];
	_ =	sdelay $0x3  }
0x33: {  	p0 =	seq.s32 s10, $0x1;
	s10 =	sld [smem:$0x3FBB];
	_ =	sdelay $0x3  }
0x34: {  	[smem:$0x3FBB] =	sst s10  }
0x35: {  	s10 =	sld [smem:$0x3FBA];
	_ =	sdelay $0x3  }
0x36: {  	p1 =	seq.s32 s10, $0x1;
	s10 =	sld [smem:$0x3FBB];
	_ =	sdelay $0x3  }
0x37: {  	[smem:$0x3FBB] =	sst s10  }
0x38: {  	s10 =	sld [smem:$0x3FBC]  }
0x39: {  	_ = 	snop;
	(pc) =	sbr.ind lr, $3  }
0x3a: {  	_ = 	snop  }
0x3b: {  	_ = 	snop  }
0x3c: {  	p2 =	seq.s32 s10, $0x1;
	s10 =	sld [smem:$0x3FBB]  }
0x3d: {  	_ =	shalt  }
0x3e: {  	_ =	shalt  }
0x3f: {  	_ =	shalt  }
0x40: {  	_ =	shalt  }
0x41: {  	_ =	shalt  }
0x42: {  	_ =	shalt  }
0x43: {  	_ =	shalt  }
0x44: {  	_ =	shalt  }
0x45: {  	_ =	shalt  }
0x46: {  	_ =	shalt  }
0x47: {  	_ =	shalt  }
0x48: {  	_ =	shalt  }
0x49: {  	_ =	shalt  }
0x4a: {  	_ =	shalt  }
0x4b: {  	_ =	shalt  }
0x4c: {  	_ =	shalt  }
0x4d: {  	_ =	shalt  }
0x4e: {  	_ =	shalt  }
0x4f: {  	_ =	shalt  }
0x50: {  	_ =	shalt  }
0x51: {  	_ =	shalt  }
0x52: {  	_ =	shalt  }
0x53: {  	_ =	shalt  }
0x54: {  	_ =	shalt  }
0x55: {  	_ =	shalt  }
0x56: {  	_ =	shalt  }
0x57: {  	_ =	shalt  }
0x58: {  	_ =	shalt  }
0x59: {  	_ =	shalt  }
0x5a: {  	_ =	shalt  }
0x5b: {  	_ =	shalt  }
0x5c: {  	_ =	shalt  }
0x5d: {  	_ =	shalt  }
0x5e: {  	_ =	shalt  }
0x5f: {  	_ =	shalt  }
0x60: {  	_ =	shalt  }
0x61: {  	_ =	shalt  }
0x62: {  	_ =	shalt  }
0x63: {  	_ =	shalt  }
0x64: {  	_ =	shalt  }
0x65: {  	_ =	shalt  }
0x66: {  	_ =	shalt  }
0x67: {  	_ =	shalt  }
0x68: {  	_ =	shalt  }
0x69: {  	_ =	shalt  }
0x6a: {  	_ =	shalt  }
0x6b: {  	_ =	shalt  }
0x6c: {  	_ =	shalt  }
0x6d: {  	_ =	shalt  }
0x6e: {  	_ =	shalt  }
0x6f: {  	_ =	shalt  }
0x70: {  	_ =	shalt  }
0x71: {  	_ =	shalt  }
0x72: {  	_ =	shalt  }
0x73: {  	_ =	shalt  }
0x74: {  	_ =	shalt  }
0x75: {  	_ =	shalt  }
0x76: {  	_ =	shalt  }
0x77: {  	_ =	shalt  }
0x78: {  	_ =	shalt  }
0x79: {  	_ =	shalt  }
0x7a: {  	_ =	shalt  }
0x7b: {  	_ =	shalt  }
0x7c: {  	_ =	shalt  }
0x7d: {  	_ =	shalt  }
0x7e: {  	_ =	shalt  }
0x7f: {  	_ =	shalt  }
0x80: {  	_ =	shalt  }
0x81: {  	_ =	shalt  }
0x82: {  	_ =	shalt  }
0x83: {  	_ =	shalt  }
0x84: {  	_ =	shalt  }
0x85: {  	_ =	shalt  }
0x86: {  	_ =	shalt  }
0x87: {  	_ =	shalt  }
.Lfunc_end0:
.L_simem_size_0:
called_computation_lowered:
.L_overlay_start_0:
0x88: {  	s2 =	sld [smem:$0x3FD9]  }
0x89: {  	s3 =	sld [smem:$0x3FFE];
	_ =	sdelay $0x1  }
0x8a: {  	s1 =	srdreg.scid  }
0x8b: {  	s0 =	sand.u32 $0x1, s1  }
0x8c: {  	s18 =	sshll.u32 s0, $0xA;
	s2 =	sadd.s32 s3, s2  }
0x8d: {  	s2 =	sadd.s32 s2, s18  }
0x8e: {  	[smem:$0x3FC7] =	sst s2  }
0x8f: {  	_ = 	snop  }
0x90: {  	s2 =	sld [smem:$0x3FC9]  }
0x91: {  	s19 =	sld [smem:$0x3FD0];
	(tm) =	ssettm $0x1  }
0x92: {  	s4 =	sld [smem:$0x3FFB];
	_ =	sdelay $0x3  }
0x93: {  	_ =	strace s4  }
0x94: {  	s4 =	sld [smem:$0x3FFC];
	_ =	sdelay $0x3  }
0x95: {  	_ =	strace s4  }
0x96: {  	s4 =	sld [smem:$0x3FFD];
	_ =	sdelay $0x3  }
0x97: {  	_ =	strace s4  }
0x98: {  	_ =	strace $0x8FFFFFFF  }
0x99: {  	s20 =	sld [smem:$0x3FDB];
	_ =	sdelay $0x1  }
0x9a: {  	s5 =	simm.s32 $_scs_section_size  }
0x9b: {  	s6 =	simm.s32 $_size__tile_overlayer_lowered;
	s7 =	simm.s32 $_tile_overlayer_lowered  }
0x9c: {  	s23 =	simm.s32 $0x1BFF;
	s22 =	sshll.u32 s7, $0x1;
	s4 =	sadd.s32 s5, s20  }
0x9d: {  	s8 =	simm.s32 $0x0;
	s21 =	sshll.u32 s6, $0x1;
	s6 =	sadd.s32 s22, s4  }
0x9e: {  	[timem:s8], [sflag:s23] =	dma.local [hbm:s6], s21  }
0x9f: {  	_ =	swait.ge [sflag:s23], s21  }
0xa0: {  	s5 =	ssub.s32 $0x0, s21;
	[sflag:s23] =	ssyncset.done $0x0  }
0xa1: {  	[sflag:s23] =	ssyncadd.s32 s5;
	_ =	sdelay $0x1  }
0xa2: {  	s24 =	simm.s32 $0x1B8B  }
0xa3: {  	_ =	swait.ge [sflag:s24], $0x1  }
0xa4: {  	[sflag:s24] =	ssyncset.done $0x0  }
0xa5: {  	s25 =	simm.s32 $0x1B8E;
	[sflag:s24] =	ssyncadd.s32 $0xFFFFFFFF  }
0xa6: {  	s26 =	simm.s32 $execute0_lowered;
	[smem:$0x3FD2] =	sst s25  }
0xa7: {  	s5 =	sshll.u32 s26, $0x1;
	_ =	strace $0x80000046;
	[dreg:$0x1] =	wrdreg $0xFFFFFFFF  }
0xa8: {  	s28 =	simm.s32 $_size_execute0_lowered;
	s4 =	sadd.s32 s4, s5;
	[dreg:$0x0] =	wrdreg $0x0  }
0xa9: {  	s5 =	sshll.u32 s28, $0x1;
	[dreg:$0x2] =	wrdreg s4  }
0xaa: {  	[dreg:$0x3] =	wrdreg s5  }
0xab: {  	[dreg:$0x4] =	wrdreg $0xC0  }
0xac: {  	_ =	task [dreg:s8], $0x5FFFF  }
0xad: {  	[dreg:$0x1] =	wrdreg $0xFFFFFFFF  }
0xae: {  	[dreg:$0x0] =	wrdreg $0x60  }
0xaf: {  	[dreg:$0x2] =	wrdreg s2  }
0xb0: {  	[dreg:$0x3] =	wrdreg s19  }
0xb1: {  	[dreg:$0x4] =	wrdreg $0x68800  }
0xb2: {  	[dreg:$0x5] =	wrdreg $0x9  }
0xb3: {  	_ =	task.clear_ibuf [dreg:s8], $0x6FFFF;
	_ =	strace $0x90000046  }
0xb4: {  	s29 =	simm.s32 $0x9;
	_ =	strace $0x80000048  }
0xb5: {  	_ =	swait.ge [sflag:s29], $0x1  }
0xb6: {  	[sflag:s29] =	ssyncadd.s32 $0xFFFFFFFF  }
0xb7: {  	_ =	strace $0x90000048  }
0xb8: {  	_ =	sfence  }
0xb9: {  	s30 =	sld [smem:$0x0];
	_ =	sdelay $0x2  }
0xba: {  	s31 =	sshll.u32 s1, $0xD;
	s1 =	sshrl.u32 s1, $0x2  }
0xbb: {  	s3 =	sand.u32 $0x4000, s31;
	s1 =	sadd.s32 s1, s30  }
0xbc: {  	s0 =	sor.u32 s3, s0;
	s1 =	sshll.u32 s1, $0x11  }
0xbd: {  	s0 =	sor.u32 s1, s0  }
0xbe: {  	s0 =	sadd.s32 $0x8F2B, s0  }
0xbf: {  	[sflag:s0] =	ssyncadd.remote.s32 $0x1  }
0xc0: {  	_ =	sfence.sel $0xFFFF  }
0xc1: {  	[dreg:$0x0] =	wrdreg $0xFFFFFFFF;
	(pc) =	sbr.abs _section_cstart, $3  }
0xc2: {  	[dreg:$0x1] =	wrdreg $0xFFFFFFFF  }
0xc3: {  	_ =	task.clear_ibuf [dreg:s8], $0x2FFFF;
	_ =	strace $0x9FFFFFFF  }
0xc4: {  	(tm) =	ssettm $0x7FFFFFFF  }
0xc5: {  	_ =	shalt  }
tec
execute0_lowered:
.L_overlay_start_1:
0x0: {  	(tag) =	ssettag $0x1  }
0x1: {  	s4 =	rddreg [dreg:$0x0]  }
0x2: {  	s7 =	rddreg [dreg:$0x1]  }
0x3: {  	s2 =	rddreg [dreg:$0x2];
	s1 =	stileid.u32  }
0x4: {  	s0 =	rddreg [dreg:$0x3];
	s5 =	srdreg.scid  }
0x5: {  	s3 =	simm.s32 $0x0;
	s12 =	simm.s32 $0x2880;
	s13 =	simm.s32 $0x2800  }
0x6: {  	s16 =	simm.s32 $0x0;
	s6 =	sshrl.u32 s1, $0x3;
	s5 =	sand.u32 $0x1, s5  }
0x7: {  	[smem:$0x7FF] =	sst s3;
	s10 =	sshll.u32 s1, $0x7;
	s6 =	smul.u32 $0x28000, s6  }
0x8: {  	s30 =	sshll.u32 s1, $0xA;
	s14 =	sshll.u32 s1, $0x6;
	s8 =	smul.u32 $0x14000, s5  }
0x9: {  	_ =	strace $0x80000047;
	s9 =	ssub.s32 $0x2, s5;
	s29 =	sand.u32 $0x380, s10  }
0xa: {  	s5 =	sshll.u32 s5, $0xE;
	s14 =	sor.u32 $0x1C01, s14;
	s11 =	sshrl.u32 s9, $0x1  }
0xb: {  	s31 =	sor.u32 s30, s5;
	s5 =	sadd.s32 s30, s2;
	s6 =	sadd.s32 s8, s6  }
0xc: {  	v0 =	vlaneseq.u32;
	s9 =	ssub.s32 s9, s11;
	s10 =	sshrl.u32 s31, $0x3;
	s11 =	simm.s32 $0x1  }
0xd: {  	v1 =	vimm.f32 $0.0e+00;
	v9 =	vimm.f32 $1.000000000e+00;
	v2 =	vor.u32 $0x10, v0;
	s15 =	sshrl.u32 s5, $0x3;
	s6 =	sor.u32 s29, s6;
	s7 =	sadd.s32 s7, s10  }
0xe: {  	v3 =	vor.u32 $0x20, v0;
	v4 =	vor.u32 $0x30, v0;
	v5 =	vor.u32 $0x40, v0;
	s8 =	smax.u32 s9, $0x1;
	s9 =	simm.s32 $0x80;
	s6 =	sshrl.u32 s6, $0x3  }
0xf: {  	v6 =	vor.u32 $0x50, v0;
	v7 =	vor.u32 $0x60, v0;
	v8 =	vor.u32 $0x70, v0;
	s10 =	simm.s32 $0x400;
	s4 =	sadd.s32 s4, s6;
	s6 =	sadd.s32 $0x2880, s30  }
.LBB2_1:
0x10: {  	[tilespmem:s3], [sflag:$0x1] =	stream.strided.gather [hbm4b:s4+s9], $0x2800, s10, s9, $0x38;
	[tilespmem:$0x6C80] =	vst v63  }
0x11: {  	_ =	swait.ge [sflag:s11], $0x2800  }
0x12: {  	[sflag:s11] =	ssyncset.done $0x0  }
0x13: {  	s17 =	simm.s32 $0x0;
	s18 =	simm.s32 $0x200;
	[sflag:s11] =	ssyncadd.s32 $0xFFFFD800  }
.LBB2_2:
0x14: {  	p0 =	sne.s32 s18, $0xFE00;
	[tilespmem:s17+$0x28F0] =	vst v1  }
0x15: {  	[tilespmem:s17+$0x2880] =	vst v1  }
0x16: {  	[tilespmem:s17+$0x2890] =	vst v1  }
.Ltmp0:
0x17: {  	[tilespmem:s17+$0x28A0] =	vst v1;
	(pc) =	sbr.rel @p0 .LBB2_2-.Ltmp0, $4  }
0x18: {  	[tilespmem:s17+$0x28B0] =	vst v1  }
0x19: {  	[tilespmem:s17+$0x28C0] =	vst v1  }
0x1a: {  	[tilespmem:s17+$0x28D0] =	vst v1  }
0x1b: {  	[tilespmem:s17+$0x28E0] =	vst v1;
	s17 =	sshra.s32 s18, $0x2;
	s18 =	sadd.s32 $0x200, s18  }
0x1c: {  	[tilespmem:s17+$0x28F0] =	vst v1  }
0x1d: {  	[tilespmem:s17+$0x2880] =	vst v1  }
0x1e: {  	[tilespmem:s17+$0x2890] =	vst v1  }
0x1f: {  	[tilespmem:s17+$0x28A0] =	vst v1  }
0x20: {  	[tilespmem:s17+$0x28B0] =	vst v1  }
0x21: {  	[tilespmem:s17+$0x28C0] =	vst v1  }
0x22: {  	[tilespmem:s17+$0x28D0] =	vst v1  }
0x23: {  	[tilespmem:s17+$0x28E0] =	vst v1  }
0x24: {  	[tilespmem:$0x2800] =	vst v0  }
0x25: {  	[tilespmem:$0x2810] =	vst v2  }
0x26: {  	[tilespmem:$0x2820] =	vst v3  }
0x27: {  	[tilespmem:$0x2830] =	vst v4  }
0x28: {  	[tilespmem:$0x2840] =	vst v5  }
0x29: {  	[tilespmem:$0x2850] =	vst v6  }
0x2a: {  	[tilespmem:$0x2860] =	vst v7  }
0x2b: {  	[tilespmem:$0x2870] =	vst v8  }
0x2c: {  	[spmem:s5] =	stream.linear.scatter [tilespmem:s6], [sflag:$0x1], $0x400, $0x38;
	[tilespmem:$0x6C80] =	vst v63  }
0x2d: {  	_ =	swait.ge [sflag:s11], $0x400  }
0x2e: {  	[sflag:s11] =	ssyncset.done $0x0  }
0x2f: {  	[sflag:s11] =	ssyncadd.s32 $0xFFFFFC00  }
0x30: {  	s18 =	simm.s32 $0x0;
	s17 =	simm.s32 $0x40;
	[bflag:$0x0] =	sbarrier.arrive $0xFFFF  }
.LBB2_4:
0x31: {  	p0 =	sne.s32 s17, $0x9FC0;
	v10 =	vld [tilespmem:s18+$0x0];
	_ =	sdelay $0x3  }
.Ltmp1:
0x32: {  	(pc) =	sbr.rel @p0 .LBB2_4-.Ltmp1, $2  }
0x33: {  	_ =	sdelay $0x2  }
0x34: {  	s18 =	sshra.s32 s17, $0x2;
	s17 =	sadd.s32 $0x40, s17;
	[tilespmem:v10+s12+$0x0] =	vst.idx.add.f32.msk $0xffff, v9  }
0x35: {  	v10 =	vld [tilespmem:s18+$0x0];
	_ =	sdelay $0x7  }
0x36: {  	[tilespmem:v10+s12+$0x0] =	vst.idx.add.f32.msk $0xffff, v9  }
0x37: {  	[spmem:s2] =	stream.indirect.scatter.add.f32 [tilespmem:s12], [sflag:$0x1], $0x80, s13, s9, $0xb8;
	[tilespmem:$0x6C80] =	vst v63  }
0x38: {  	_ =	swait.ge [sflag:s11], $0x4000  }
0x39: {  	s16 =	sadd.s32 $0x1, s16;
	[sflag:s11] =	ssyncset.done $0x0  }
0x3a: {  	p0 =	sne.s32 s16, s8;
	[sflag:s11] =	ssyncadd.s32 $0xFFFFC000  }
.Ltmp2:
0x3b: {  	[bflag:$0x0] =	sbarrier.arrive $0xFFFF;
	(pc) =	sbr.rel @p0 .LBB2_1-.Ltmp2, $4  }
0x3c: {  	[hbm:s7], [sflag:s14] =	dma.local [spmem:s15], $0x80  }
0x3d: {  	_ =	swait.ge [sflag:s11], $0x80  }
0x3e: {  	[sflag:s11] =	ssyncset.done $0x0  }
0x3f: {  	[sflag:s11] =	ssyncadd.s32 $0xFFFFFF80  }
0x40: {  	_ =	sfence.sel $0x180000  }
0x41: {  	[bflag:$0x0] =	sbarrier.arrive $0xFFFF  }
0x42: {  	p0 =	sne.s32 s1, $0x0;
	_ =	strace $0x90000047  }
0x43: {  	s0 =	sadd.s32 @!p0 $0x100000, s0;
	[bflag:$0x2] =	sbarrier.arrive $0xFFFF  }
0x44: {  	[sflag:s0] =	ssyncadd.tile.s32 @!p0 $0x1;
	_ =	shalt  }
.Lfunc_end2:
_tile_overlayer_lowered:
.L_overlay_start_2:
0x45: {  	(tag) =	ssettag $0x2  }
0x46: {  	s0 =	rddreg [dreg:$0x0];
	s2 =	stileid.u32  }
0x47: {  	s1 =	rddreg [dreg:$0x1];
	p0 =	sne.s32 s2, $0x0  }
0x48: {  	s3 =	rddreg [dreg:$0x2];
	[bflag:$0x3] =	sbarrier.arrive $0xFFFF;
	s2 =	simm.s32 @!p0 $0x1C01  }
0x49: {  	[timem:s3], [sflag:s2] =	dma.local @!p0 [hbm:s0], s1  }
0x4a: {  	s0 =	simm.s32 @!p0 $0x1  }
0x4b: {  	_ =	swait.ge @!p0 [sflag:s0], s1  }
0x4c: {  	s1 =	ssub.s32 @!p0 $0x0, s1;
	[sflag:s0] =	ssyncset.done @!p0 $0x0  }
0x4d: {  	[sflag:s0] =	ssyncadd.s32 @!p0 s1  }
0x4e: {  	[bflag:$0x3] =	sbarrier.arrive $0xFFFF  }
0x4f: {  	_ =	shalt  }

</sc_bundles>
